<compile_context>
chip_gen: v7x
topology: tpu7x:2x2x1
jax: 0.10.2.dev20260603
libtpu: 0.0.44.dev20260713+nightly
codegen_flags: <defaults>
</compile_context>

<pallas_src>
import functools

import jax
import jax.numpy as jnp
from jax import lax
from jax.experimental import pallas as pl
from jax.experimental.pallas import tpu as pltpu
from jax.experimental.pallas import tpu_sc as plsc

B = 1024
L = 20
ITEM_COUNT = 1000
CATE_COUNT = 100
USER_DIM = 128

_NC = 2
_NS = 16
_NW = _NC * _NS
_BPW = B // _NW


def _sc_user_gather(table, idx):
  mesh = plsc.VectorSubcoreMesh(core_axis_name="c", subcore_axis_name="s")

  @functools.partial(
      pl.kernel,
      mesh=mesh,
      out_type=jax.ShapeDtypeStruct((B, USER_DIM), jnp.float32),
      scratch_types=[
          pltpu.VMEM((_BPW,), jnp.int32),
          pltpu.VMEM((_BPW, USER_DIM), jnp.float32),
          pltpu.SemaphoreType.DMA,
      ],
  )
  def k(table_hbm, idx_hbm, out_hbm, idx_v, rows_v, sem):
    wid = lax.axis_index("s") * _NC + lax.axis_index("c")
    base = wid * _BPW
    pltpu.sync_copy(idx_hbm.at[pl.ds(base, _BPW)], idx_v)
    pltpu.async_copy(table_hbm.at[idx_v], rows_v, sem).wait()
    pltpu.sync_copy(rows_v, out_hbm.at[pl.ds(base, _BPW)])

  return k(table, idx)


def _dot_t(x, w):
  return lax.dot_general(x, w, (((1,), (1,)), ((), ())),
                         preferred_element_type=jnp.float32)


def _tc_head(user_emb_ref, ints_ref, item_tab_ref, cate_tab_ref, vec_ref,
             w1_ref, w2_ref, w3_ref, out_ref):
  f32 = jnp.float32
  ints = ints_ref[...]
  item = ints[:, 0]
  hist = ints[:, 1:1 + L]
  cate_list = ints[:ITEM_COUNT, 1 + L]
  vec = vec_ref[...]
  gamma, beta = vec[0:1, :], vec[1:2, :]
  b1 = vec[2:3, :200]
  a1 = vec[3:4, 0:1]
  b2 = vec[4:5, :80]
  a2 = vec[5:6, 0:1]
  b3 = vec[6:7, :2]

  jpos = lax.broadcasted_iota(jnp.int32, (B, L), 1)
  cand = jnp.where((jpos >= 1) & (hist == 0), jpos, L)
  valid_len = jnp.min(cand, axis=1, keepdims=True)
  posmask = (jpos < valid_len).astype(f32)

  iota_col = lax.broadcasted_iota(jnp.int32, (B, 1), 0)
  bad = jnp.where(hist[:, 0:1] == 0, iota_col, B)
  first_bad = jnp.min(bad)
  active = (iota_col < first_bad).astype(f32)

  ocT = (lax.broadcasted_iota(jnp.int32, (CATE_COUNT, ITEM_COUNT), 0)
         == cate_list).astype(f32)
  cate_join = lax.dot_general(ocT, cate_tab_ref[...], (((0,), (0,)), ((), ())),
                              preferred_element_type=f32)
  joined = jnp.concatenate([item_tab_ref[...], cate_join], axis=1)

  bf16 = jnp.bfloat16
  iota16 = lax.broadcasted_iota(jnp.int32, (B, ITEM_COUNT), 1).astype(jnp.int16)
  h16 = hist.astype(jnp.int16)
  m16 = posmask.astype(bf16)
  zero16 = jnp.zeros((B, ITEM_COUNT), bf16)
  counts = zero16
  for l in range(L):
    counts = counts + jnp.where(h16[:, l:l + 1] == iota16,
                                m16[:, l:l + 1], zero16)
  j_hi = joined.astype(bf16)
  j_lo = (joined - j_hi.astype(f32)).astype(bf16)
  pooled_sum = (jnp.dot(counts, j_hi, preferred_element_type=f32)
                + jnp.dot(counts, j_lo, preferred_element_type=f32))
  pooled = (pooled_sum / valid_len.astype(f32)) * active

  ohT = (lax.broadcasted_iota(jnp.int32, (ITEM_COUNT, B), 0)
         == item).astype(f32)
  item_join = lax.dot_general(ohT, joined, (((0,), (0,)), ((), ())),
                              preferred_element_type=f32)

  join_emb = jnp.concatenate([user_emb_ref[...], item_join, pooled], axis=1)

  mean = jnp.mean(join_emb, axis=0, keepdims=True)
  d = join_emb - mean
  var = jnp.mean(d * d, axis=0, keepdims=True)
  h = d * lax.rsqrt(var + 1e-5) * gamma + beta

  h = _dot_t(h, w1_ref[...]) + b1
  h = jnp.where(h >= 0.0, h, a1 * h)
  h = _dot_t(h, w2_ref[...]) + b2
  h = jnp.where(h >= 0.0, h, a2 * h)
  h = _dot_t(h, w3_ref[...]) + b3

  h0, h1 = h[:, 0:1], h[:, 1:2]
  m = jnp.maximum(h0, h1)
  e0 = jnp.exp(h0 - m)
  e1 = jnp.exp(h1 - m)
  s = e0 + e1
  out_ref[...] = jnp.concatenate([e0 / s, e1 / s], axis=1)


def kernel(user, item, history, length, cate_list, user_table, item_table,
           cate_table, bn_gamma, bn_beta, W1, b1, a1, W2, b2, a2, W3, b3):
  del length
  i32 = jnp.int32
  f32 = jnp.float32
  user_emb = _sc_user_gather(user_table, user.astype(i32))

  cate_pad = jnp.pad(cate_list.astype(i32), (0, B - ITEM_COUNT))
  ints = jnp.concatenate(
      [item.astype(i32).reshape(B, 1), history.astype(i32),
       cate_pad.reshape(B, 1)], axis=1)

  def _row(v):
    v = v.astype(f32)
    return jnp.pad(v, (0, 384 - v.shape[0])).reshape(1, 384)

  vec = jnp.concatenate(
      [_row(bn_gamma), _row(bn_beta), _row(b1), _row(a1), _row(b2), _row(a2),
       _row(b3)], axis=0)

  out = pl.pallas_call(
      _tc_head,
      out_shape=jax.ShapeDtypeStruct((B, 2), jnp.float32),
  )(
      user_emb,
      ints,
      item_table,
      cate_table,
      vec,
      W1,
      W2,
      W3,
  )
  return out

# --- scband reference (transcript-rebuilt; emitter-appended) ---
"""Pipeline reference for scband-net-27943057228397 (READ-ONLY COPY).

The authoritative reference and input builder live on the scoring server;
editing this copy changes nothing except your own understanding.
"""

import jax, jax.numpy as jnp
import numpy as np

B = 1024
L = 20
USER_COUNT = 100000
ITEM_COUNT = 1000
CATE_COUNT = 100
USER_DIM = 128
ITEM_DIM = 64
CATE_DIM = 64


def setup_inputs(seed: int = 0) -> dict:
    key = jax.random.key(seed)
    ks = jax.random.split(key, 12)
    user = jax.random.randint(ks[0], (B,), 0, USER_COUNT)
    item = jax.random.randint(ks[1], (B,), 0, ITEM_COUNT)
    history = jax.random.randint(ks[2], (B, L), 0, ITEM_COUNT)
    length = jax.random.randint(ks[3], (B,), 0, L)
    cate_list = jnp.arange(ITEM_COUNT, dtype=jnp.int32) % CATE_COUNT
    user_table = jax.random.normal(ks[4], (USER_COUNT, USER_DIM), jnp.float32) * 0.05
    item_table = jax.random.normal(ks[5], (ITEM_COUNT, ITEM_DIM), jnp.float32) * 0.05
    cate_table = jax.random.normal(ks[6], (CATE_COUNT, CATE_DIM), jnp.float32) * 0.05
    bn_gamma = jnp.ones((384,), jnp.float32)
    bn_beta = jnp.zeros((384,), jnp.float32)
    W1 = jax.random.normal(ks[7], (200, 384), jnp.float32) * 0.05
    b1 = jnp.zeros((200,), jnp.float32)
    a1 = jnp.full((1,), 0.25, jnp.float32)
    W2 = jax.random.normal(ks[8], (80, 200), jnp.float32) * 0.05
    b2 = jnp.zeros((80,), jnp.float32)
    a2 = jnp.full((1,), 0.25, jnp.float32)
    W3 = jax.random.normal(ks[9], (2, 80), jnp.float32) * 0.05
    b3 = jnp.zeros((2,), jnp.float32)
    return {"user": user, "item": item, "history": history, "length": length,
            "cate_list": cate_list, "user_table": user_table, "item_table": item_table,
            "cate_table": cate_table, "bn_gamma": bn_gamma, "bn_beta": bn_beta,
            "W1": W1, "b1": b1, "a1": a1, "W2": W2, "b2": b2, "a2": a2,
            "W3": W3, "b3": b3}


def reference(user, item, history, length, cate_list, user_table, item_table,
              cate_table, bn_gamma, bn_beta, W1, b1, a1, W2, b2, a2, W3, b3):
    # --- get_emb ---
    user_emb = jnp.take(user_table, user, axis=0)                       # [B, 128]
    item_emb = jnp.take(item_table, item, axis=0)                       # [B, 64]
    item_cate_emb = jnp.take(cate_table, jnp.take(cate_list, item), axis=0)  # [B, 64]
    item_join_emb = jnp.concatenate([item_emb, item_cate_emb], axis=-1)  # [B, 128]

    Bn, Ln = history.shape
    # Torch outer loop: `if history[b][0] == 0: break` -> all rows >= first such b stay zero.
    starts_zero = history[:, 0] == 0
    first_break = jnp.where(jnp.any(starts_zero), jnp.argmax(starts_zero), Bn)
    row_active = (jnp.arange(Bn) < first_break)                          # [B]
    # Torch inner loop: appends h[jj]; breaks after appending if jj==L-1 or h[jj+1]==0.
    # => valid count = index of first zero in history[b, 1:] (full-array index), else L.
    zeros_after = history[:, 1:] == 0                                    # [B, L-1]
    has_zero = jnp.any(zeros_after, axis=1)
    first_zero = jnp.argmax(zeros_after, axis=1) + 1
    valid_len = jnp.where(has_zero, first_zero, Ln)                      # [B]
    pos_mask = (jnp.arange(Ln)[None, :] < valid_len[:, None])            # [B, L]

    his_item_emb = jnp.take(item_table, history, axis=0)                 # [B, L, 64]
    his_cate_emb = jnp.take(cate_table, jnp.take(cate_list, history), axis=0)  # [B, L, 64]
    his_join = jnp.concatenate([his_item_emb, his_cate_emb], axis=-1)    # [B, L, 128]
    pooled = jnp.sum(his_join * pos_mask[:, :, None].astype(his_join.dtype), axis=1)
    denom = jnp.maximum(valid_len, 1).astype(pooled.dtype)
    pooled = pooled / denom[:, None]
    pooled = pooled * row_active[:, None].astype(pooled.dtype)           # [B, 128]

    # --- fc head ---
    join_emb = jnp.concatenate([user_emb, item_join_emb, pooled], axis=1)  # [B, 384]
    mean = jnp.mean(join_emb, axis=0)
    var = jnp.var(join_emb, axis=0)
    h = (join_emb - mean) / jnp.sqrt(var + 1e-5)
    h = h * bn_gamma + bn_beta
    h = h @ W1.T + b1
    h = jnp.where(h >= 0, h, a1 * h)
    h = h @ W2.T + b2
    h = jnp.where(h >= 0, h, a2 * h)
    h = h @ W3.T + b3
    out = jax.nn.softmax(h, axis=1)
    return out


if False:  # reference __main__ guard neutralized (emitter)
    inp = setup_inputs()
    out = reference(**inp)
    print(out.shape, out.dtype)

if __name__ == "__main__":
    import jax
    _d = setup_inputs()
    print(jax.jit(kernel)(*tuple(_d.values())))

</pallas_src>

<mosaic_0001>
#map = affine_map<(d0, d1) -> (0, 0)>
#map1 = affine_map<(d0, d1) -> (0)>
module attributes {stable_mosaic.version = 14 : i64} {
  func.func @k(%arg0: i32, %arg1: i32, %arg2: memref<100000x128xf32, #tpu.memory_space<hbm>>, %arg3: memref<1024xi32, #tpu.memory_space<hbm>>, %arg4: memref<1024x128xf32, #tpu.memory_space<hbm>>, %arg5: memref<32xi32, #tpu.memory_space<vmem>>, %arg6: memref<32x128xf32, #tpu.memory_space<vmem>>, %arg7: memref<!tpu.dma_semaphore, #tpu.memory_space<semaphore_mem>>) attributes {dimension_semantics = [#tpu.dimension_semantics<core_parallel>, #tpu.dimension_semantics<subcore_parallel>], iteration_bounds = array<i64: 2, 16>, scalar_prefetch = 0 : i64, scratch_operands = 3 : i64, tpu.core_type = #tpu.core_type<sc_vector_subcore>, window_params = [{transform_indices = #map}, {transform_indices = #map1}, {transform_indices = #map}]} {
    %mul3A = arith.constant 2 : i32
    %mul3A_0 = arith.muli %arg1, %mul3A : i32
    %add3A = arith.addi %mul3A_0, %arg0 : i32
    %mul3A_1 = arith.constant 32 : i32
    %mul3A_2 = arith.muli %add3A, %mul3A_1 : i32
    "tpu.region"() ({
      %run_scoped3A = tpu.sem_alloc : memref<!tpu.dma_semaphore, #tpu.memory_space<semaphore_mem>>
      %dma_start3A_7 = tpu.memref_slice %arg3[%mul3A_2] : memref<1024xi32, #tpu.memory_space<hbm>> -> memref<32xi32, #tpu.memory_space<hbm>>
      %dma_start3A_8 = tpu.memref_slice %arg3[%mul3A_2] : memref<1024xi32, #tpu.memory_space<hbm>> -> memref<32xi32, #tpu.memory_space<hbm>>
      tpu.enqueue_dma source(%dma_start3A_8 : memref<32xi32, #tpu.memory_space<hbm>>) target(%arg5 : memref<32xi32, #tpu.memory_space<vmem>>) target_semaphore(%run_scoped3A : memref<!tpu.dma_semaphore, #tpu.memory_space<semaphore_mem>>)
      %dma_wait3A_9 = tpu.memref_slice %arg3[%mul3A_2] : memref<1024xi32, #tpu.memory_space<hbm>> -> memref<32xi32, #tpu.memory_space<hbm>>
      %dma_wait3A_10 = tpu.memref_slice %arg3[%mul3A_2] : memref<1024xi32, #tpu.memory_space<hbm>> -> memref<32xi32, #tpu.memory_space<hbm>>
      tpu.wait_dma2 semaphore(%run_scoped3A : memref<!tpu.dma_semaphore, #tpu.memory_space<semaphore_mem>>) src(%dma_wait3A_10 : memref<32xi32, #tpu.memory_space<hbm>>) dst(%arg5 : memref<32xi32, #tpu.memory_space<vmem>>)
      tpu.yield
    }) : () -> ()
    %dma_start3A = arith.constant 0 : i32
    %dma_start3A_3 = arith.constant 0 : i32
    %dma_start3A_4 = tpu.memref_slice %arg2[%dma_start3A, %dma_start3A_3] : memref<100000x128xf32, #tpu.memory_space<hbm>> -> memref<100000x128xf32, #tpu.memory_space<hbm>>
    tpu.enqueue_indirect_dma source(%dma_start3A_4 : memref<100000x128xf32, #tpu.memory_space<hbm>>) target(%arg6 : memref<32x128xf32, #tpu.memory_space<vmem>>) offsets(%arg5 : memref<32xi32, #tpu.memory_space<vmem>>) semaphore(%arg7 : memref<!tpu.dma_semaphore, #tpu.memory_space<semaphore_mem>>)
    %dma_wait3A = arith.constant 0 : i32
    %dma_wait3A_5 = arith.constant 0 : i32
    %dma_wait3A_6 = tpu.memref_slice %arg2[%dma_wait3A, %dma_wait3A_5] : memref<100000x128xf32, #tpu.memory_space<hbm>> -> memref<100000x128xf32, #tpu.memory_space<hbm>>
    tpu.wait_indirect_dma semaphore(%arg7 : memref<!tpu.dma_semaphore, #tpu.memory_space<semaphore_mem>>) src(%dma_wait3A_6 : memref<100000x128xf32, #tpu.memory_space<hbm>>) dst(%arg6 : memref<32x128xf32, #tpu.memory_space<vmem>>)
    "tpu.region"() ({
      %run_scoped3A = tpu.sem_alloc : memref<!tpu.dma_semaphore, #tpu.memory_space<semaphore_mem>>
      %dma_start3A_7 = arith.constant 0 : i32
      %dma_start3A_8 = tpu.memref_slice %arg4[%mul3A_2, %dma_start3A_7] : memref<1024x128xf32, #tpu.memory_space<hbm>> -> memref<32x128xf32, #tpu.memory_space<hbm>>
      %dma_start3A_9 = arith.constant 0 : i32
      %dma_start3A_10 = tpu.memref_slice %arg4[%mul3A_2, %dma_start3A_9] : memref<1024x128xf32, #tpu.memory_space<hbm>> -> memref<32x128xf32, #tpu.memory_space<hbm>>
      tpu.enqueue_dma source(%arg6 : memref<32x128xf32, #tpu.memory_space<vmem>>) target(%dma_start3A_10 : memref<32x128xf32, #tpu.memory_space<hbm>>) target_semaphore(%run_scoped3A : memref<!tpu.dma_semaphore, #tpu.memory_space<semaphore_mem>>)
      %dma_wait3A_11 = arith.constant 0 : i32
      %dma_wait3A_12 = tpu.memref_slice %arg4[%mul3A_2, %dma_wait3A_11] : memref<1024x128xf32, #tpu.memory_space<hbm>> -> memref<32x128xf32, #tpu.memory_space<hbm>>
      %dma_wait3A_13 = arith.constant 0 : i32
      %dma_wait3A_14 = tpu.memref_slice %arg4[%mul3A_2, %dma_wait3A_13] : memref<1024x128xf32, #tpu.memory_space<hbm>> -> memref<32x128xf32, #tpu.memory_space<hbm>>
      tpu.wait_dma2 semaphore(%run_scoped3A : memref<!tpu.dma_semaphore, #tpu.memory_space<semaphore_mem>>) src(%arg6 : memref<32x128xf32, #tpu.memory_space<vmem>>) dst(%dma_wait3A_14 : memref<32x128xf32, #tpu.memory_space<hbm>>)
      tpu.yield
    }) : () -> ()
    return
  }
}

module attributes {stable_mosaic.version = 14 : i64} {
  func.func @_tc_head(%arg0: memref<1024x128xf32, #tpu.memory_space<vmem>>, %arg1: memref<1024x22xi32, #tpu.memory_space<vmem>>, %arg2: memref<1000x64xf32, #tpu.memory_space<vmem>>, %arg3: memref<100x64xf32, #tpu.memory_space<vmem>>, %arg4: memref<7x384xf32, #tpu.memory_space<vmem>>, %arg5: memref<200x384xf32, #tpu.memory_space<vmem>>, %arg6: memref<80x200xf32, #tpu.memory_space<vmem>>, %arg7: memref<2x80xf32, #tpu.memory_space<vmem>>, %arg8: memref<1024x2xf32, #tpu.memory_space<vmem>>) attributes {dimension_semantics = [], scalar_prefetch = 0 : i64, scratch_operands = 0 : i64, tpu.core_type = #tpu.core_type<tc>} {
    %get3A = arith.constant 0 : index
    %get3A_0 = arith.constant 0 : index
    %get3A_1 = vector.load %arg1[%get3A, %get3A_0] : memref<1024x22xi32, #tpu.memory_space<vmem>>, vector<1024x22xi32>
    %slice3A = vector.extract_strided_slice %get3A_1 {offsets = [0, 0], sizes = [1024, 1], strides = [1, 1]} : vector<1024x22xi32> to vector<1024x1xi32>
    %squeeze3A = vector.shape_cast %slice3A : vector<1024x1xi32> to vector<1024xi32>
    %slice3A_2 = vector.extract_strided_slice %get3A_1 {offsets = [0, 1], sizes = [1024, 20], strides = [1, 1]} : vector<1024x22xi32> to vector<1024x20xi32>
    %slice3A_3 = vector.extract_strided_slice %get3A_1 {offsets = [0, 21], sizes = [1000, 1], strides = [1, 1]} : vector<1024x22xi32> to vector<1000x1xi32>
    %squeeze3A_4 = vector.shape_cast %slice3A_3 : vector<1000x1xi32> to vector<1000xi32>
    %get3A_5 = arith.constant 0 : index
    %get3A_6 = arith.constant 0 : index
    %get3A_7 = vector.load %arg4[%get3A_5, %get3A_6] : memref<7x384xf32, #tpu.memory_space<vmem>>, vector<7x384xf32>
    %slice3A_8 = vector.extract_strided_slice %get3A_7 {offsets = [0, 0], sizes = [1, 384], strides = [1, 1]} : vector<7x384xf32> to vector<1x384xf32>
    %slice3A_9 = vector.extract_strided_slice %get3A_7 {offsets = [1, 0], sizes = [1, 384], strides = [1, 1]} : vector<7x384xf32> to vector<1x384xf32>
    %slice3A_10 = vector.extract_strided_slice %get3A_7 {offsets = [2, 0], sizes = [1, 200], strides = [1, 1]} : vector<7x384xf32> to vector<1x200xf32>
    %slice3A_11 = vector.extract_strided_slice %get3A_7 {offsets = [3, 0], sizes = [1, 1], strides = [1, 1]} : vector<7x384xf32> to vector<1x1xf32>
    %slice3A_12 = vector.extract_strided_slice %get3A_7 {offsets = [4, 0], sizes = [1, 80], strides = [1, 1]} : vector<7x384xf32> to vector<1x80xf32>
    %slice3A_13 = vector.extract_strided_slice %get3A_7 {offsets = [5, 0], sizes = [1, 1], strides = [1, 1]} : vector<7x384xf32> to vector<1x1xf32>
    %slice3A_14 = vector.extract_strided_slice %get3A_7 {offsets = [6, 0], sizes = [1, 2], strides = [1, 1]} : vector<7x384xf32> to vector<1x2xf32>
    %iota3A = tpu.iota {dimensions = array<i32: 1>} : vector<1024x20xi32>
    %ge3A = arith.constant 1 : i32
    %ge3A_15 = vector.broadcast %ge3A : i32 to vector<1024x20xi32>
    %ge3A_16 = arith.cmpi sge, %iota3A, %ge3A_15 : vector<1024x20xi32>
    %eq3A = arith.constant 0 : i32
    %eq3A_17 = vector.broadcast %eq3A : i32 to vector<1024x20xi32>
    %eq3A_18 = arith.cmpi eq, %slice3A_2, %eq3A_17 : vector<1024x20xi32>
    %and3A = arith.andi %ge3A_16, %eq3A_18 : vector<1024x20xi1>
    %jit3A = arith.constant 20 : i32
    %broadcast_in_dim3A = vector.broadcast %jit3A : i32 to vector<1024x20xi32>
    %select_n3A = arith.select %and3A, %iota3A, %broadcast_in_dim3A : vector<1024x20xi1>, vector<1024x20xi32>
    %reduce_min3A = arith.constant dense<2147483647> : vector<1024xi32>
    %reduce_min3A_19 = vector.multi_reduction <minsi>, %select_n3A, %reduce_min3A [1] : vector<1024x20xi32> to vector<1024xi32>
    %broadcast_in_dim3A_20 = vector.shape_cast %reduce_min3A_19 : vector<1024xi32> to vector<1024x1xi32>
    %lt3A = vector.broadcast %broadcast_in_dim3A_20 : vector<1024x1xi32> to vector<1024x20xi32>
    %lt3A_21 = arith.cmpi slt, %iota3A, %lt3A : vector<1024x20xi32>
    %convert_element_type3A = arith.extui %lt3A_21 : vector<1024x20xi1> to vector<1024x20xi32>
    %convert_element_type3A_22 = arith.sitofp %convert_element_type3A : vector<1024x20xi32> to vector<1024x20xf32>
    %iota3A_23 = tpu.iota {dimensions = array<i32: 0>} : vector<1024x1xi32>
    %slice3A_24 = vector.extract_strided_slice %slice3A_2 {offsets = [0, 0], sizes = [1024, 1], strides = [1, 1]} : vector<1024x20xi32> to vector<1024x1xi32>
    %eq3A_25 = arith.constant 0 : i32
    %eq3A_26 = vector.broadcast %eq3A_25 : i32 to vector<1024x1xi32>
    %eq3A_27 = arith.cmpi eq, %slice3A_24, %eq3A_26 : vector<1024x1xi32>
    %jit3A_28 = arith.constant 1024 : i32
    %broadcast_in_dim3A_29 = vector.broadcast %jit3A_28 : i32 to vector<1024x1xi32>
    %select_n3A_30 = arith.select %eq3A_27, %iota3A_23, %broadcast_in_dim3A_29 : vector<1024x1xi1>, vector<1024x1xi32>
    %reduce_min3A_31 = vector.shape_cast %select_n3A_30 : vector<1024x1xi32> to vector<1x1024x1xi32>
    %reduce_min3A_32 = arith.constant dense<2147483647> : vector<1xi32>
    %reduce_min3A_33 = vector.multi_reduction <minsi>, %reduce_min3A_31, %reduce_min3A_32 [1, 2] : vector<1x1024x1xi32> to vector<1xi32>
    %reduce_min3A_34 = vector.shape_cast %reduce_min3A_33 : vector<1xi32> to vector<1x1x1xi32>
    %reduce_min3A_35 = vector.extract %reduce_min3A_34[0, 0, 0] : i32 from vector<1x1x1xi32>
    %lt3A_36 = vector.broadcast %reduce_min3A_35 : i32 to vector<1024x1xi32>
    %lt3A_37 = arith.cmpi slt, %iota3A_23, %lt3A_36 : vector<1024x1xi32>
    %convert_element_type3A_38 = arith.extui %lt3A_37 : vector<1024x1xi1> to vector<1024x1xi32>
    %convert_element_type3A_39 = arith.sitofp %convert_element_type3A_38 : vector<1024x1xi32> to vector<1024x1xf32>
    %iota3A_40 = tpu.iota {dimensions = array<i32: 0>} : vector<100x1000xi32>
    %broadcast_in_dim3A_41 = vector.shape_cast %squeeze3A_4 : vector<1000xi32> to vector<1x1000xi32>
    %eq3A_42 = vector.broadcast %broadcast_in_dim3A_41 : vector<1x1000xi32> to vector<100x1000xi32>
    %eq3A_43 = arith.cmpi eq, %iota3A_40, %eq3A_42 : vector<100x1000xi32>
    %convert_element_type3A_44 = arith.extui %eq3A_43 : vector<100x1000xi1> to vector<100x1000xi32>
    %convert_element_type3A_45 = arith.sitofp %convert_element_type3A_44 : vector<100x1000xi32> to vector<100x1000xf32>
    %get3A_46 = arith.constant 0 : index
    %get3A_47 = arith.constant 0 : index
    %get3A_48 = vector.load %arg3[%get3A_46, %get3A_47] : memref<100x64xf32, #tpu.memory_space<vmem>>, vector<100x64xf32>
    %dot_general3A = arith.constant dense<0.000000e+00> : vector<1000x64xf32>
    %dot_general3A_49 = tpu.matmul %convert_element_type3A_45, %get3A_48, %dot_general3A {dimension_numbers = #tpu.dot_dimension_numbers<[0], [0], [1], [1], [0, 1, 1, 1], [], []>, transpose_lhs_hint = false} : vector<100x1000xf32>, vector<100x64xf32>, vector<1000x64xf32> -> vector<1000x64xf32>
    %get3A_50 = arith.constant 0 : index
    %get3A_51 = arith.constant 0 : index
    %get3A_52 = vector.load %arg2[%get3A_50, %get3A_51] : memref<1000x64xf32, #tpu.memory_space<vmem>>, vector<1000x64xf32>
    %concatenate3A = tpu.concatenate %get3A_52, %dot_general3A_49 in 1 : vector<1000x64xf32>, vector<1000x64xf32> -> vector<1000x128xf32>
    %iota3A_53 = tpu.iota {dimensions = array<i32: 1>} : vector<1024x1000xi32>
    %convert_element_type3A_54 = arith.trunci %iota3A_53 : vector<1024x1000xi32> to vector<1024x1000xi16>
    %convert_element_type3A_55 = arith.trunci %slice3A_2 : vector<1024x20xi32> to vector<1024x20xi16>
    %convert_element_type3A_56 = arith.truncf %convert_element_type3A_22 : vector<1024x20xf32> to vector<1024x20xbf16>
    %broadcast_in_dim3A_57 = arith.constant 0.000000e+00 : bf16
    %broadcast_in_dim3A_58 = vector.broadcast %broadcast_in_dim3A_57 : bf16 to vector<1024x1000xbf16>
    %slice3A_59 = vector.extract_strided_slice %convert_element_type3A_55 {offsets = [0, 0], sizes = [1024, 1], strides = [1, 1]} : vector<1024x20xi16> to vector<1024x1xi16>
    %eq3A_60 = vector.broadcast %slice3A_59 : vector<1024x1xi16> to vector<1024x1000xi16>
    %eq3A_61 = arith.cmpi eq, %eq3A_60, %convert_element_type3A_54 : vector<1024x1000xi16>
    %slice3A_62 = vector.extract_strided_slice %convert_element_type3A_56 {offsets = [0, 0], sizes = [1024, 1], strides = [1, 1]} : vector<1024x20xbf16> to vector<1024x1xbf16>
    %broadcast_in_dim3A_63 = vector.shape_cast %slice3A_62 : vector<1024x1xbf16> to vector<1024x1xbf16>
    %broadcast_in_dim3A_64 = vector.broadcast %broadcast_in_dim3A_63 : vector<1024x1xbf16> to vector<1024x1000xbf16>
    %select_n3A_65 = arith.select %eq3A_61, %broadcast_in_dim3A_64, %broadcast_in_dim3A_58 : vector<1024x1000xi1>, vector<1024x1000xbf16>
    %add3A = arith.addf %broadcast_in_dim3A_58, %select_n3A_65 : vector<1024x1000xbf16>
    %slice3A_66 = vector.extract_strided_slice %convert_element_type3A_55 {offsets = [0, 1], sizes = [1024, 1], strides = [1, 1]} : vector<1024x20xi16> to vector<1024x1xi16>
    %eq3A_67 = vector.broadcast %slice3A_66 : vector<1024x1xi16> to vector<1024x1000xi16>
    %eq3A_68 = arith.cmpi eq, %eq3A_67, %convert_element_type3A_54 : vector<1024x1000xi16>
    %slice3A_69 = vector.extract_strided_slice %convert_element_type3A_56 {offsets = [0, 1], sizes = [1024, 1], strides = [1, 1]} : vector<1024x20xbf16> to vector<1024x1xbf16>
    %broadcast_in_dim3A_70 = vector.shape_cast %slice3A_69 : vector<1024x1xbf16> to vector<1024x1xbf16>
    %broadcast_in_dim3A_71 = vector.broadcast %broadcast_in_dim3A_70 : vector<1024x1xbf16> to vector<1024x1000xbf16>
    %select_n3A_72 = arith.select %eq3A_68, %broadcast_in_dim3A_71, %broadcast_in_dim3A_58 : vector<1024x1000xi1>, vector<1024x1000xbf16>
    %add3A_73 = arith.addf %add3A, %select_n3A_72 : vector<1024x1000xbf16>
    %slice3A_74 = vector.extract_strided_slice %convert_element_type3A_55 {offsets = [0, 2], sizes = [1024, 1], strides = [1, 1]} : vector<1024x20xi16> to vector<1024x1xi16>
    %eq3A_75 = vector.broadcast %slice3A_74 : vector<1024x1xi16> to vector<1024x1000xi16>
    %eq3A_76 = arith.cmpi eq, %eq3A_75, %convert_element_type3A_54 : vector<1024x1000xi16>
    %slice3A_77 = vector.extract_strided_slice %convert_element_type3A_56 {offsets = [0, 2], sizes = [1024, 1], strides = [1, 1]} : vector<1024x20xbf16> to vector<1024x1xbf16>
    %broadcast_in_dim3A_78 = vector.shape_cast %slice3A_77 : vector<1024x1xbf16> to vector<1024x1xbf16>
    %broadcast_in_dim3A_79 = vector.broadcast %broadcast_in_dim3A_78 : vector<1024x1xbf16> to vector<1024x1000xbf16>
    %select_n3A_80 = arith.select %eq3A_76, %broadcast_in_dim3A_79, %broadcast_in_dim3A_58 : vector<1024x1000xi1>, vector<1024x1000xbf16>
    %add3A_81 = arith.addf %add3A_73, %select_n3A_80 : vector<1024x1000xbf16>
    %slice3A_82 = vector.extract_strided_slice %convert_element_type3A_55 {offsets = [0, 3], sizes = [1024, 1], strides = [1, 1]} : vector<1024x20xi16> to vector<1024x1xi16>
    %eq3A_83 = vector.broadcast %slice3A_82 : vector<1024x1xi16> to vector<1024x1000xi16>
    %eq3A_84 = arith.cmpi eq, %eq3A_83, %convert_element_type3A_54 : vector<1024x1000xi16>
    %slice3A_85 = vector.extract_strided_slice %convert_element_type3A_56 {offsets = [0, 3], sizes = [1024, 1], strides = [1, 1]} : vector<1024x20xbf16> to vector<1024x1xbf16>
    %broadcast_in_dim3A_86 = vector.shape_cast %slice3A_85 : vector<1024x1xbf16> to vector<1024x1xbf16>
    %broadcast_in_dim3A_87 = vector.broadcast %broadcast_in_dim3A_86 : vector<1024x1xbf16> to vector<1024x1000xbf16>
    %select_n3A_88 = arith.select %eq3A_84, %broadcast_in_dim3A_87, %broadcast_in_dim3A_58 : vector<1024x1000xi1>, vector<1024x1000xbf16>
    %add3A_89 = arith.addf %add3A_81, %select_n3A_88 : vector<1024x1000xbf16>
    %slice3A_90 = vector.extract_strided_slice %convert_element_type3A_55 {offsets = [0, 4], sizes = [1024, 1], strides = [1, 1]} : vector<1024x20xi16> to vector<1024x1xi16>
    %eq3A_91 = vector.broadcast %slice3A_90 : vector<1024x1xi16> to vector<1024x1000xi16>
    %eq3A_92 = arith.cmpi eq, %eq3A_91, %convert_element_type3A_54 : vector<1024x1000xi16>
    %slice3A_93 = vector.extract_strided_slice %convert_element_type3A_56 {offsets = [0, 4], sizes = [1024, 1], strides = [1, 1]} : vector<1024x20xbf16> to vector<1024x1xbf16>
    %broadcast_in_dim3A_94 = vector.shape_cast %slice3A_93 : vector<1024x1xbf16> to vector<1024x1xbf16>
    %broadcast_in_dim3A_95 = vector.broadcast %broadcast_in_dim3A_94 : vector<1024x1xbf16> to vector<1024x1000xbf16>
    %select_n3A_96 = arith.select %eq3A_92, %broadcast_in_dim3A_95, %broadcast_in_dim3A_58 : vector<1024x1000xi1>, vector<1024x1000xbf16>
    %add3A_97 = arith.addf %add3A_89, %select_n3A_96 : vector<1024x1000xbf16>
    %slice3A_98 = vector.extract_strided_slice %convert_element_type3A_55 {offsets = [0, 5], sizes = [1024, 1], strides = [1, 1]} : vector<1024x20xi16> to vector<1024x1xi16>
    %eq3A_99 = vector.broadcast %slice3A_98 : vector<1024x1xi16> to vector<1024x1000xi16>
    %eq3A_100 = arith.cmpi eq, %eq3A_99, %convert_element_type3A_54 : vector<1024x1000xi16>
    %slice3A_101 = vector.extract_strided_slice %convert_element_type3A_56 {offsets = [0, 5], sizes = [1024, 1], strides = [1, 1]} : vector<1024x20xbf16> to vector<1024x1xbf16>
    %broadcast_in_dim3A_102 = vector.shape_cast %slice3A_101 : vector<1024x1xbf16> to vector<1024x1xbf16>
    %broadcast_in_dim3A_103 = vector.broadcast %broadcast_in_dim3A_102 : vector<1024x1xbf16> to vector<1024x1000xbf16>
    %select_n3A_104 = arith.select %eq3A_100, %broadcast_in_dim3A_103, %broadcast_in_dim3A_58 : vector<1024x1000xi1>, vector<1024x1000xbf16>
    %add3A_105 = arith.addf %add3A_97, %select_n3A_104 : vector<1024x1000xbf16>
    %slice3A_106 = vector.extract_strided_slice %convert_element_type3A_55 {offsets = [0, 6], sizes = [1024, 1], strides = [1, 1]} : vector<1024x20xi16> to vector<1024x1xi16>
    %eq3A_107 = vector.broadcast %slice3A_106 : vector<1024x1xi16> to vector<1024x1000xi16>
    %eq3A_108 = arith.cmpi eq, %eq3A_107, %convert_element_type3A_54 : vector<1024x1000xi16>
    %slice3A_109 = vector.extract_strided_slice %convert_element_type3A_56 {offsets = [0, 6], sizes = [1024, 1], strides = [1, 1]} : vector<1024x20xbf16> to vector<1024x1xbf16>
    %broadcast_in_dim3A_110 = vector.shape_cast %slice3A_109 : vector<1024x1xbf16> to vector<1024x1xbf16>
    %broadcast_in_dim3A_111 = vector.broadcast %broadcast_in_dim3A_110 : vector<1024x1xbf16> to vector<1024x1000xbf16>
    %select_n3A_112 = arith.select %eq3A_108, %broadcast_in_dim3A_111, %broadcast_in_dim3A_58 : vector<1024x1000xi1>, vector<1024x1000xbf16>
    %add3A_113 = arith.addf %add3A_105, %select_n3A_112 : vector<1024x1000xbf16>
    %slice3A_114 = vector.extract_strided_slice %convert_element_type3A_55 {offsets = [0, 7], sizes = [1024, 1], strides = [1, 1]} : vector<1024x20xi16> to vector<1024x1xi16>
    %eq3A_115 = vector.broadcast %slice3A_114 : vector<1024x1xi16> to vector<1024x1000xi16>
    %eq3A_116 = arith.cmpi eq, %eq3A_115, %convert_element_type3A_54 : vector<1024x1000xi16>
    %slice3A_117 = vector.extract_strided_slice %convert_element_type3A_56 {offsets = [0, 7], sizes = [1024, 1], strides = [1, 1]} : vector<1024x20xbf16> to vector<1024x1xbf16>
    %broadcast_in_dim3A_118 = vector.shape_cast %slice3A_117 : vector<1024x1xbf16> to vector<1024x1xbf16>
    %broadcast_in_dim3A_119 = vector.broadcast %broadcast_in_dim3A_118 : vector<1024x1xbf16> to vector<1024x1000xbf16>
    %select_n3A_120 = arith.select %eq3A_116, %broadcast_in_dim3A_119, %broadcast_in_dim3A_58 : vector<1024x1000xi1>, vector<1024x1000xbf16>
    %add3A_121 = arith.addf %add3A_113, %select_n3A_120 : vector<1024x1000xbf16>
    %slice3A_122 = vector.extract_strided_slice %convert_element_type3A_55 {offsets = [0, 8], sizes = [1024, 1], strides = [1, 1]} : vector<1024x20xi16> to vector<1024x1xi16>
    %eq3A_123 = vector.broadcast %slice3A_122 : vector<1024x1xi16> to vector<1024x1000xi16>
    %eq3A_124 = arith.cmpi eq, %eq3A_123, %convert_element_type3A_54 : vector<1024x1000xi16>
    %slice3A_125 = vector.extract_strided_slice %convert_element_type3A_56 {offsets = [0, 8], sizes = [1024, 1], strides = [1, 1]} : vector<1024x20xbf16> to vector<1024x1xbf16>
    %broadcast_in_dim3A_126 = vector.shape_cast %slice3A_125 : vector<1024x1xbf16> to vector<1024x1xbf16>
    %broadcast_in_dim3A_127 = vector.broadcast %broadcast_in_dim3A_126 : vector<1024x1xbf16> to vector<1024x1000xbf16>
    %select_n3A_128 = arith.select %eq3A_124, %broadcast_in_dim3A_127, %broadcast_in_dim3A_58 : vector<1024x1000xi1>, vector<1024x1000xbf16>
    %add3A_129 = arith.addf %add3A_121, %select_n3A_128 : vector<1024x1000xbf16>
    %slice3A_130 = vector.extract_strided_slice %convert_element_type3A_55 {offsets = [0, 9], sizes = [1024, 1], strides = [1, 1]} : vector<1024x20xi16> to vector<1024x1xi16>
    %eq3A_131 = vector.broadcast %slice3A_130 : vector<1024x1xi16> to vector<1024x1000xi16>
    %eq3A_132 = arith.cmpi eq, %eq3A_131, %convert_element_type3A_54 : vector<1024x1000xi16>
    %slice3A_133 = vector.extract_strided_slice %convert_element_type3A_56 {offsets = [0, 9], sizes = [1024, 1], strides = [1, 1]} : vector<1024x20xbf16> to vector<1024x1xbf16>
    %broadcast_in_dim3A_134 = vector.shape_cast %slice3A_133 : vector<1024x1xbf16> to vector<1024x1xbf16>
    %broadcast_in_dim3A_135 = vector.broadcast %broadcast_in_dim3A_134 : vector<1024x1xbf16> to vector<1024x1000xbf16>
    %select_n3A_136 = arith.select %eq3A_132, %broadcast_in_dim3A_135, %broadcast_in_dim3A_58 : vector<1024x1000xi1>, vector<1024x1000xbf16>
    %add3A_137 = arith.addf %add3A_129, %select_n3A_136 : vector<1024x1000xbf16>
    %slice3A_138 = vector.extract_strided_slice %convert_element_type3A_55 {offsets = [0, 10], sizes = [1024, 1], strides = [1, 1]} : vector<1024x20xi16> to vector<1024x1xi16>
    %eq3A_139 = vector.broadcast %slice3A_138 : vector<1024x1xi16> to vector<1024x1000xi16>
    %eq3A_140 = arith.cmpi eq, %eq3A_139, %convert_element_type3A_54 : vector<1024x1000xi16>
    %slice3A_141 = vector.extract_strided_slice %convert_element_type3A_56 {offsets = [0, 10], sizes = [1024, 1], strides = [1, 1]} : vector<1024x20xbf16> to vector<1024x1xbf16>
    %broadcast_in_dim3A_142 = vector.shape_cast %slice3A_141 : vector<1024x1xbf16> to vector<1024x1xbf16>
    %broadcast_in_dim3A_143 = vector.broadcast %broadcast_in_dim3A_142 : vector<1024x1xbf16> to vector<1024x1000xbf16>
    %select_n3A_144 = arith.select %eq3A_140, %broadcast_in_dim3A_143, %broadcast_in_dim3A_58 : vector<1024x1000xi1>, vector<1024x1000xbf16>
    %add3A_145 = arith.addf %add3A_137, %select_n3A_144 : vector<1024x1000xbf16>
    %slice3A_146 = vector.extract_strided_slice %convert_element_type3A_55 {offsets = [0, 11], sizes = [1024, 1], strides = [1, 1]} : vector<1024x20xi16> to vector<1024x1xi16>
    %eq3A_147 = vector.broadcast %slice3A_146 : vector<1024x1xi16> to vector<1024x1000xi16>
    %eq3A_148 = arith.cmpi eq, %eq3A_147, %convert_element_type3A_54 : vector<1024x1000xi16>
    %slice3A_149 = vector.extract_strided_slice %convert_element_type3A_56 {offsets = [0, 11], sizes = [1024, 1], strides = [1, 1]} : vector<1024x20xbf16> to vector<1024x1xbf16>
    %broadcast_in_dim3A_150 = vector.shape_cast %slice3A_149 : vector<1024x1xbf16> to vector<1024x1xbf16>
    %broadcast_in_dim3A_151 = vector.broadcast %broadcast_in_dim3A_150 : vector<1024x1xbf16> to vector<1024x1000xbf16>
    %select_n3A_152 = arith.select %eq3A_148, %broadcast_in_dim3A_151, %broadcast_in_dim3A_58 : vector<1024x1000xi1>, vector<1024x1000xbf16>
    %add3A_153 = arith.addf %add3A_145, %select_n3A_152 : vector<1024x1000xbf16>
    %slice3A_154 = vector.extract_strided_slice %convert_element_type3A_55 {offsets = [0, 12], sizes = [1024, 1], strides = [1, 1]} : vector<1024x20xi16> to vector<1024x1xi16>
    %eq3A_155 = vector.broadcast %slice3A_154 : vector<1024x1xi16> to vector<1024x1000xi16>
    %eq3A_156 = arith.cmpi eq, %eq3A_155, %convert_element_type3A_54 : vector<1024x1000xi16>
    %slice3A_157 = vector.extract_strided_slice %convert_element_type3A_56 {offsets = [0, 12], sizes = [1024, 1], strides = [1, 1]} : vector<1024x20xbf16> to vector<1024x1xbf16>
    %broadcast_in_dim3A_158 = vector.shape_cast %slice3A_157 : vector<1024x1xbf16> to vector<1024x1xbf16>
    %broadcast_in_dim3A_159 = vector.broadcast %broadcast_in_dim3A_158 : vector<1024x1xbf16> to vector<1024x1000xbf16>
    %select_n3A_160 = arith.select %eq3A_156, %broadcast_in_dim3A_159, %broadcast_in_dim3A_58 : vector<1024x1000xi1>, vector<1024x1000xbf16>
    %add3A_161 = arith.addf %add3A_153, %select_n3A_160 : vector<1024x1000xbf16>
    %slice3A_162 = vector.extract_strided_slice %convert_element_type3A_55 {offsets = [0, 13], sizes = [1024, 1], strides = [1, 1]} : vector<1024x20xi16> to vector<1024x1xi16>
    %eq3A_163 = vector.broadcast %slice3A_162 : vector<1024x1xi16> to vector<1024x1000xi16>
    %eq3A_164 = arith.cmpi eq, %eq3A_163, %convert_element_type3A_54 : vector<1024x1000xi16>
    %slice3A_165 = vector.extract_strided_slice %convert_element_type3A_56 {offsets = [0, 13], sizes = [1024, 1], strides = [1, 1]} : vector<1024x20xbf16> to vector<1024x1xbf16>
    %broadcast_in_dim3A_166 = vector.shape_cast %slice3A_165 : vector<1024x1xbf16> to vector<1024x1xbf16>
    %broadcast_in_dim3A_167 = vector.broadcast %broadcast_in_dim3A_166 : vector<1024x1xbf16> to vector<1024x1000xbf16>
    %select_n3A_168 = arith.select %eq3A_164, %broadcast_in_dim3A_167, %broadcast_in_dim3A_58 : vector<1024x1000xi1>, vector<1024x1000xbf16>
    %add3A_169 = arith.addf %add3A_161, %select_n3A_168 : vector<1024x1000xbf16>
    %slice3A_170 = vector.extract_strided_slice %convert_element_type3A_55 {offsets = [0, 14], sizes = [1024, 1], strides = [1, 1]} : vector<1024x20xi16> to vector<1024x1xi16>
    %eq3A_171 = vector.broadcast %slice3A_170 : vector<1024x1xi16> to vector<1024x1000xi16>
    %eq3A_172 = arith.cmpi eq, %eq3A_171, %convert_element_type3A_54 : vector<1024x1000xi16>
    %slice3A_173 = vector.extract_strided_slice %convert_element_type3A_56 {offsets = [0, 14], sizes = [1024, 1], strides = [1, 1]} : vector<1024x20xbf16> to vector<1024x1xbf16>
    %broadcast_in_dim3A_174 = vector.shape_cast %slice3A_173 : vector<1024x1xbf16> to vector<1024x1xbf16>
    %broadcast_in_dim3A_175 = vector.broadcast %broadcast_in_dim3A_174 : vector<1024x1xbf16> to vector<1024x1000xbf16>
    %select_n3A_176 = arith.select %eq3A_172, %broadcast_in_dim3A_175, %broadcast_in_dim3A_58 : vector<1024x1000xi1>, vector<1024x1000xbf16>
    %add3A_177 = arith.addf %add3A_169, %select_n3A_176 : vector<1024x1000xbf16>
    %slice3A_178 = vector.extract_strided_slice %convert_element_type3A_55 {offsets = [0, 15], sizes = [1024, 1], strides = [1, 1]} : vector<1024x20xi16> to vector<1024x1xi16>
    %eq3A_179 = vector.broadcast %slice3A_178 : vector<1024x1xi16> to vector<1024x1000xi16>
    %eq3A_180 = arith.cmpi eq, %eq3A_179, %convert_element_type3A_54 : vector<1024x1000xi16>
    %slice3A_181 = vector.extract_strided_slice %convert_element_type3A_56 {offsets = [0, 15], sizes = [1024, 1], strides = [1, 1]} : vector<1024x20xbf16> to vector<1024x1xbf16>
    %broadcast_in_dim3A_182 = vector.shape_cast %slice3A_181 : vector<1024x1xbf16> to vector<1024x1xbf16>
    %broadcast_in_dim3A_183 = vector.broadcast %broadcast_in_dim3A_182 : vector<1024x1xbf16> to vector<1024x1000xbf16>
    %select_n3A_184 = arith.select %eq3A_180, %broadcast_in_dim3A_183, %broadcast_in_dim3A_58 : vector<1024x1000xi1>, vector<1024x1000xbf16>
    %add3A_185 = arith.addf %add3A_177, %select_n3A_184 : vector<1024x1000xbf16>
    %slice3A_186 = vector.extract_strided_slice %convert_element_type3A_55 {offsets = [0, 16], sizes = [1024, 1], strides = [1, 1]} : vector<1024x20xi16> to vector<1024x1xi16>
    %eq3A_187 = vector.broadcast %slice3A_186 : vector<1024x1xi16> to vector<1024x1000xi16>
    %eq3A_188 = arith.cmpi eq, %eq3A_187, %convert_element_type3A_54 : vector<1024x1000xi16>
    %slice3A_189 = vector.extract_strided_slice %convert_element_type3A_56 {offsets = [0, 16], sizes = [1024, 1], strides = [1, 1]} : vector<1024x20xbf16> to vector<1024x1xbf16>
    %broadcast_in_dim3A_190 = vector.shape_cast %slice3A_189 : vector<1024x1xbf16> to vector<1024x1xbf16>
    %broadcast_in_dim3A_191 = vector.broadcast %broadcast_in_dim3A_190 : vector<1024x1xbf16> to vector<1024x1000xbf16>
    %select_n3A_192 = arith.select %eq3A_188, %broadcast_in_dim3A_191, %broadcast_in_dim3A_58 : vector<1024x1000xi1>, vector<1024x1000xbf16>
    %add3A_193 = arith.addf %add3A_185, %select_n3A_192 : vector<1024x1000xbf16>
    %slice3A_194 = vector.extract_strided_slice %convert_element_type3A_55 {offsets = [0, 17], sizes = [1024, 1], strides = [1, 1]} : vector<1024x20xi16> to vector<1024x1xi16>
    %eq3A_195 = vector.broadcast %slice3A_194 : vector<1024x1xi16> to vector<1024x1000xi16>
    %eq3A_196 = arith.cmpi eq, %eq3A_195, %convert_element_type3A_54 : vector<1024x1000xi16>
    %slice3A_197 = vector.extract_strided_slice %convert_element_type3A_56 {offsets = [0, 17], sizes = [1024, 1], strides = [1, 1]} : vector<1024x20xbf16> to vector<1024x1xbf16>
    %broadcast_in_dim3A_198 = vector.shape_cast %slice3A_197 : vector<1024x1xbf16> to vector<1024x1xbf16>
    %broadcast_in_dim3A_199 = vector.broadcast %broadcast_in_dim3A_198 : vector<1024x1xbf16> to vector<1024x1000xbf16>
    %select_n3A_200 = arith.select %eq3A_196, %broadcast_in_dim3A_199, %broadcast_in_dim3A_58 : vector<1024x1000xi1>, vector<1024x1000xbf16>
    %add3A_201 = arith.addf %add3A_193, %select_n3A_200 : vector<1024x1000xbf16>
    %slice3A_202 = vector.extract_strided_slice %convert_element_type3A_55 {offsets = [0, 18], sizes = [1024, 1], strides = [1, 1]} : vector<1024x20xi16> to vector<1024x1xi16>
    %eq3A_203 = vector.broadcast %slice3A_202 : vector<1024x1xi16> to vector<1024x1000xi16>
    %eq3A_204 = arith.cmpi eq, %eq3A_203, %convert_element_type3A_54 : vector<1024x1000xi16>
    %slice3A_205 = vector.extract_strided_slice %convert_element_type3A_56 {offsets = [0, 18], sizes = [1024, 1], strides = [1, 1]} : vector<1024x20xbf16> to vector<1024x1xbf16>
    %broadcast_in_dim3A_206 = vector.shape_cast %slice3A_205 : vector<1024x1xbf16> to vector<1024x1xbf16>
    %broadcast_in_dim3A_207 = vector.broadcast %broadcast_in_dim3A_206 : vector<1024x1xbf16> to vector<1024x1000xbf16>
    %select_n3A_208 = arith.select %eq3A_204, %broadcast_in_dim3A_207, %broadcast_in_dim3A_58 : vector<1024x1000xi1>, vector<1024x1000xbf16>
    %add3A_209 = arith.addf %add3A_201, %select_n3A_208 : vector<1024x1000xbf16>
    %slice3A_210 = vector.extract_strided_slice %convert_element_type3A_55 {offsets = [0, 19], sizes = [1024, 1], strides = [1, 1]} : vector<1024x20xi16> to vector<1024x1xi16>
    %eq3A_211 = vector.broadcast %slice3A_210 : vector<1024x1xi16> to vector<1024x1000xi16>
    %eq3A_212 = arith.cmpi eq, %eq3A_211, %convert_element_type3A_54 : vector<1024x1000xi16>
    %slice3A_213 = vector.extract_strided_slice %convert_element_type3A_56 {offsets = [0, 19], sizes = [1024, 1], strides = [1, 1]} : vector<1024x20xbf16> to vector<1024x1xbf16>
    %broadcast_in_dim3A_214 = vector.shape_cast %slice3A_213 : vector<1024x1xbf16> to vector<1024x1xbf16>
    %broadcast_in_dim3A_215 = vector.broadcast %broadcast_in_dim3A_214 : vector<1024x1xbf16> to vector<1024x1000xbf16>
    %select_n3A_216 = arith.select %eq3A_212, %broadcast_in_dim3A_215, %broadcast_in_dim3A_58 : vector<1024x1000xi1>, vector<1024x1000xbf16>
    %add3A_217 = arith.addf %add3A_209, %select_n3A_216 : vector<1024x1000xbf16>
    %convert_element_type3A_218 = arith.truncf %concatenate3A : vector<1000x128xf32> to vector<1000x128xbf16>
    %convert_element_type3A_219 = arith.extf %convert_element_type3A_218 : vector<1000x128xbf16> to vector<1000x128xf32>
    %sub3A = arith.subf %concatenate3A, %convert_element_type3A_219 : vector<1000x128xf32>
    %convert_element_type3A_220 = arith.truncf %sub3A : vector<1000x128xf32> to vector<1000x128xbf16>
    %dot_general3A_221 = arith.constant dense<0.000000e+00> : vector<1024x128xf32>
    %dot_general3A_222 = tpu.matmul %add3A_217, %convert_element_type3A_218, %dot_general3A_221 {dimension_numbers = #tpu.dot_dimension_numbers<[1], [0], [0], [1], [0, 0, 1, 1], [], []>, transpose_lhs_hint = false} : vector<1024x1000xbf16>, vector<1000x128xbf16>, vector<1024x128xf32> -> vector<1024x128xf32>
    %dot_general3A_223 = arith.constant dense<0.000000e+00> : vector<1024x128xf32>
    %dot_general3A_224 = tpu.matmul %add3A_217, %convert_element_type3A_220, %dot_general3A_223 {dimension_numbers = #tpu.dot_dimension_numbers<[1], [0], [0], [1], [0, 0, 1, 1], [], []>, transpose_lhs_hint = false} : vector<1024x1000xbf16>, vector<1000x128xbf16>, vector<1024x128xf32> -> vector<1024x128xf32>
    %add3A_225 = arith.addf %dot_general3A_222, %dot_general3A_224 : vector<1024x128xf32>
    %convert_element_type3A_226 = arith.sitofp %broadcast_in_dim3A_20 : vector<1024x1xi32> to vector<1024x1xf32>
    %div3A = vector.broadcast %convert_element_type3A_226 : vector<1024x1xf32> to vector<1024x128xf32>
    %div3A_227 = arith.divf %add3A_225, %div3A : vector<1024x128xf32>
    %mul3A = vector.broadcast %convert_element_type3A_39 : vector<1024x1xf32> to vector<1024x128xf32>
    %mul3A_228 = arith.mulf %div3A_227, %mul3A : vector<1024x128xf32>
    %iota3A_229 = tpu.iota {dimensions = array<i32: 0>} : vector<1000x1024xi32>
    %broadcast_in_dim3A_230 = vector.shape_cast %squeeze3A : vector<1024xi32> to vector<1x1024xi32>
    %eq3A_231 = vector.broadcast %broadcast_in_dim3A_230 : vector<1x1024xi32> to vector<1000x1024xi32>
    %eq3A_232 = arith.cmpi eq, %iota3A_229, %eq3A_231 : vector<1000x1024xi32>
    %convert_element_type3A_233 = arith.extui %eq3A_232 : vector<1000x1024xi1> to vector<1000x1024xi32>
    %convert_element_type3A_234 = arith.sitofp %convert_element_type3A_233 : vector<1000x1024xi32> to vector<1000x1024xf32>
    %dot_general3A_235 = arith.constant dense<0.000000e+00> : vector<1024x128xf32>
    %dot_general3A_236 = tpu.matmul %convert_element_type3A_234, %concatenate3A, %dot_general3A_235 {dimension_numbers = #tpu.dot_dimension_numbers<[0], [0], [1], [1], [0, 1, 1, 1], [], []>, transpose_lhs_hint = false} : vector<1000x1024xf32>, vector<1000x128xf32>, vector<1024x128xf32> -> vector<1024x128xf32>
    %get3A_237 = arith.constant 0 : index
    %get3A_238 = arith.constant 0 : index
    %get3A_239 = vector.load %arg0[%get3A_237, %get3A_238] : memref<1024x128xf32, #tpu.memory_space<vmem>>, vector<1024x128xf32>
    %concatenate3A_240 = tpu.concatenate %get3A_239, %dot_general3A_236, %mul3A_228 in 1 : vector<1024x128xf32>, vector<1024x128xf32>, vector<1024x128xf32> -> vector<1024x384xf32>
    %reduce_sum3A = arith.constant dense<0.000000e+00> : vector<384xf32>
    %reduce_sum3A_241 = vector.multi_reduction <add>, %concatenate3A_240, %reduce_sum3A [0] : vector<1024x384xf32> to vector<384xf32>
    %broadcast_in_dim3A_242 = vector.shape_cast %reduce_sum3A_241 : vector<384xf32> to vector<1x384xf32>
    %div3A_243 = arith.constant 1.024000e+03 : f32
    %div3A_244 = vector.broadcast %div3A_243 : f32 to vector<1x384xf32>
    %div3A_245 = arith.divf %broadcast_in_dim3A_242, %div3A_244 : vector<1x384xf32>
    %sub3A_246 = vector.broadcast %div3A_245 : vector<1x384xf32> to vector<1024x384xf32>
    %sub3A_247 = arith.subf %concatenate3A_240, %sub3A_246 : vector<1024x384xf32>
    %mul3A_248 = arith.mulf %sub3A_247, %sub3A_247 : vector<1024x384xf32>
    %reduce_sum3A_249 = arith.constant dense<0.000000e+00> : vector<384xf32>
    %reduce_sum3A_250 = vector.multi_reduction <add>, %mul3A_248, %reduce_sum3A_249 [0] : vector<1024x384xf32> to vector<384xf32>
    %broadcast_in_dim3A_251 = vector.shape_cast %reduce_sum3A_250 : vector<384xf32> to vector<1x384xf32>
    %div3A_252 = arith.constant 1.024000e+03 : f32
    %div3A_253 = vector.broadcast %div3A_252 : f32 to vector<1x384xf32>
    %div3A_254 = arith.divf %broadcast_in_dim3A_251, %div3A_253 : vector<1x384xf32>
    %add3A_255 = arith.constant 9.99999974E-6 : f32
    %add3A_256 = vector.broadcast %add3A_255 : f32 to vector<1x384xf32>
    %add3A_257 = arith.addf %div3A_254, %add3A_256 : vector<1x384xf32>
    %rsqrt3A = math.rsqrt %add3A_257 : vector<1x384xf32>
    %mul3A_258 = vector.broadcast %rsqrt3A : vector<1x384xf32> to vector<1024x384xf32>
    %mul3A_259 = arith.mulf %sub3A_247, %mul3A_258 : vector<1024x384xf32>
    %mul3A_260 = vector.broadcast %slice3A_8 : vector<1x384xf32> to vector<1024x384xf32>
    %mul3A_261 = arith.mulf %mul3A_259, %mul3A_260 : vector<1024x384xf32>
    %add3A_262 = vector.broadcast %slice3A_9 : vector<1x384xf32> to vector<1024x384xf32>
    %add3A_263 = arith.addf %mul3A_261, %add3A_262 : vector<1024x384xf32>
    %get3A_264 = arith.constant 0 : index
    %get3A_265 = arith.constant 0 : index
    %get3A_266 = vector.load %arg5[%get3A_264, %get3A_265] : memref<200x384xf32, #tpu.memory_space<vmem>>, vector<200x384xf32>
    %dot_general3A_267 = arith.constant dense<0.000000e+00> : vector<1024x200xf32>
    %dot_general3A_268 = tpu.matmul %add3A_263, %get3A_266, %dot_general3A_267 {dimension_numbers = #tpu.dot_dimension_numbers<[1], [1], [0], [0], [0, 0, 1, 0], [], []>, transpose_lhs_hint = false} : vector<1024x384xf32>, vector<200x384xf32>, vector<1024x200xf32> -> vector<1024x200xf32>
    %add3A_269 = vector.broadcast %slice3A_10 : vector<1x200xf32> to vector<1024x200xf32>
    %add3A_270 = arith.addf %dot_general3A_268, %add3A_269 : vector<1024x200xf32>
    %ge3A_271 = arith.constant 0.000000e+00 : f32
    %ge3A_272 = vector.broadcast %ge3A_271 : f32 to vector<1024x200xf32>
    %ge3A_273 = arith.cmpf oge, %add3A_270, %ge3A_272 : vector<1024x200xf32>
    %mul3A_274 = vector.broadcast %slice3A_11 : vector<1x1xf32> to vector<1024x200xf32>
    %mul3A_275 = arith.mulf %mul3A_274, %add3A_270 : vector<1024x200xf32>
    %select_n3A_276 = arith.select %ge3A_273, %add3A_270, %mul3A_275 : vector<1024x200xi1>, vector<1024x200xf32>
    %get3A_277 = arith.constant 0 : index
    %get3A_278 = arith.constant 0 : index
    %get3A_279 = vector.load %arg6[%get3A_277, %get3A_278] : memref<80x200xf32, #tpu.memory_space<vmem>>, vector<80x200xf32>
    %dot_general3A_280 = arith.constant dense<0.000000e+00> : vector<1024x80xf32>
    %dot_general3A_281 = tpu.matmul %select_n3A_276, %get3A_279, %dot_general3A_280 {dimension_numbers = #tpu.dot_dimension_numbers<[1], [1], [0], [0], [0, 0, 1, 0], [], []>, transpose_lhs_hint = false} : vector<1024x200xf32>, vector<80x200xf32>, vector<1024x80xf32> -> vector<1024x80xf32>
    %add3A_282 = vector.broadcast %slice3A_12 : vector<1x80xf32> to vector<1024x80xf32>
    %add3A_283 = arith.addf %dot_general3A_281, %add3A_282 : vector<1024x80xf32>
    %ge3A_284 = arith.constant 0.000000e+00 : f32
    %ge3A_285 = vector.broadcast %ge3A_284 : f32 to vector<1024x80xf32>
    %ge3A_286 = arith.cmpf oge, %add3A_283, %ge3A_285 : vector<1024x80xf32>
    %mul3A_287 = vector.broadcast %slice3A_13 : vector<1x1xf32> to vector<1024x80xf32>
    %mul3A_288 = arith.mulf %mul3A_287, %add3A_283 : vector<1024x80xf32>
    %select_n3A_289 = arith.select %ge3A_286, %add3A_283, %mul3A_288 : vector<1024x80xi1>, vector<1024x80xf32>
    %get3A_290 = arith.constant 0 : index
    %get3A_291 = arith.constant 0 : index
    %get3A_292 = vector.load %arg7[%get3A_290, %get3A_291] : memref<2x80xf32, #tpu.memory_space<vmem>>, vector<2x80xf32>
    %dot_general3A_293 = arith.constant dense<0.000000e+00> : vector<1024x2xf32>
    %dot_general3A_294 = tpu.matmul %select_n3A_289, %get3A_292, %dot_general3A_293 {dimension_numbers = #tpu.dot_dimension_numbers<[1], [1], [0], [0], [0, 0, 1, 0], [], []>, transpose_lhs_hint = false} : vector<1024x80xf32>, vector<2x80xf32>, vector<1024x2xf32> -> vector<1024x2xf32>
    %add3A_295 = vector.broadcast %slice3A_14 : vector<1x2xf32> to vector<1024x2xf32>
    %add3A_296 = arith.addf %dot_general3A_294, %add3A_295 : vector<1024x2xf32>
    %slice3A_297 = vector.extract_strided_slice %add3A_296 {offsets = [0, 0], sizes = [1024, 1], strides = [1, 1]} : vector<1024x2xf32> to vector<1024x1xf32>
    %slice3A_298 = vector.extract_strided_slice %add3A_296 {offsets = [0, 1], sizes = [1024, 1], strides = [1, 1]} : vector<1024x2xf32> to vector<1024x1xf32>
    %max3A = arith.maximumf %slice3A_297, %slice3A_298 : vector<1024x1xf32>
    %sub3A_299 = arith.subf %slice3A_297, %max3A : vector<1024x1xf32>
    %exp3A = math.exp %sub3A_299 : vector<1024x1xf32>
    %sub3A_300 = arith.subf %slice3A_298, %max3A : vector<1024x1xf32>
    %exp3A_301 = math.exp %sub3A_300 : vector<1024x1xf32>
    %add3A_302 = arith.addf %exp3A, %exp3A_301 : vector<1024x1xf32>
    %div3A_303 = arith.divf %exp3A, %add3A_302 : vector<1024x1xf32>
    %div3A_304 = arith.divf %exp3A_301, %add3A_302 : vector<1024x1xf32>
    %concatenate3A_305 = tpu.concatenate %div3A_303, %div3A_304 in 1 : vector<1024x1xf32>, vector<1024x1xf32> -> vector<1024x2xf32>
    %swap3A = arith.constant 0 : index
    %swap3A_306 = arith.constant 0 : index
    %swap3A_307 = vector.load %arg8[%swap3A, %swap3A_306] : memref<1024x2xf32, #tpu.memory_space<vmem>>, vector<1024x2xf32>
    tpu.vector_store %arg8[%swap3A, %swap3A_306], %concatenate3A_305 {strides = array<i32>} : memref<1024x2xf32, #tpu.memory_space<vmem>>, vector<1024x2xf32>,
    return
  }
}

</mosaic_0001>

<sc_bundles>
// kernel: kernel.4.cloned.1.call-start
scs
__scs_entry_jumppad:
0x0: {  	(pc) =	sbr.rel $0x88, $3  }
0x1: {  	(tag) =	ssettag $0x0;
	lr =	simm.s32 $0x1  }
0x2: {  	[smem:$0x3F90] =	sst lr;
	_ =	strace $0xD0000000  }
0x3: {  	_ = 	snop  }
0x4: {  	_ = 	snop  }
0x5: {  	_ = 	snop  }
0x6: {  	_ = 	snop  }
0x7: {  	_ = 	snop  }
__scs_overlays_trampoline_lowered:
0x8: {  	[smem:$0x3F9F] =	sst s0  }
0x9: {  	[smem:$0x3FA0] =	sst s1  }
0xa: {  	[smem:$0x3FA1] =	sst s2  }
0xb: {  	[smem:$0x3FA2] =	sst s3  }
0xc: {  	[smem:$0x3FA3] =	sst s4  }
0xd: {  	[smem:$0x3FA4] =	sst s5  }
0xe: {  	[smem:$0x3FA5] =	sst s6  }
0xf: {  	[smem:$0x3FA6] =	sst s7  }
0x10: {  	[smem:$0x3FA7] =	sst s8  }
0x11: {  	[smem:$0x3FA8] =	sst s9;
	s0 =	simm.s32 @!p0 $0x0  }
0x12: {  	s1 =	sld [smem:$0x3F8E];
	s0 =	simm.s32 @p0 $0x1  }
0x13: {  	[smem:$0x3FA9] =	sst s0;
	s0 =	simm.s32 @!p1 $0x0  }
0x14: {  	s2 =	sld [smem:$0x3F8D];
	s0 =	simm.s32 @p1 $0x1  }
0x15: {  	[smem:$0x3FAA] =	sst s0;
	s0 =	simm.s32 @!p2 $0x0  }
0x16: {  	s3 =	sld [smem:$0x3FDB];
	s0 =	simm.s32 @p2 $0x1  }
0x17: {  	s4 =	simm.s32 $0x1BF5;
	[smem:$0x3FAC] =	sst s0  }
0x18: {  	s0 =	sld [smem:$0x3F8F];
	_ =	swait.ge [sflag:s4], $0x0  }
0x19: {  	s7 =	sld [smem:$0x3F90]  }
0x1a: {  	s8 =	sadd.s32 $0xFFFFE003, lr  }
0x1b: {  	s9 =	sadd.s32 $0xFFFFFEF7, lr;
	s5 =	simm.s32 $0xFFFFFFFF;
	p2 =	slt.u32 s8, $0xFFFFF086  }
0x1c: {  	p1 =	slt.u32 s9, $0xF7A;
	s5 =	simm.s32 @!p2 $0x0  }
0x1d: {  	s5 =	simm.s32 @p1 $0x1;
	p0 =	seq.s32 s7, s2  }
0x1e: {  	s7 =	smul.u32 @!p0 $0xF7A, s2;
	p2 =	seq.s32 @!p0 s5, $0x0  }
0x1f: {  	s9 =	smul.u32 $0xF7A, s1;
	s8 =	simm.s32 @!p0 $0x1BF5;
	p2 =	por !p2, p0  }
0x20: {  	[sflag:s8] =	ssyncset.s32 @!p0 $0xFFFFF086;
	s6 =	sadd.s32 @!p0 s3, s7;
	s7 =	simm.s32 @!p0 $0x108  }
0x21: {  	s3 =	sadd.s32 s3, s9;
	s6 =	sadd.s32 @!p0 $0x88, s6;
	s7 =	simm.s32 @p2 $0x1082  }
0x22: {  	[simem:s7], [sflag:s8] =	dma.local @!p0 [hbm:s6], $0xF7A  }
0x23: {  	s9 =	sor.u32 $0xD0000000, s2;
	s6 =	simm.s32 $0x108;
	_ =	swait.ge @!p0 [sflag:s8], $0x0  }
0x24: {  	s3 =	sadd.s32 $0x88, s3;
	s6 =	simm.s32 @!p1 $0x1082;
	[sflag:s4] =	ssyncset.s32 $0xFFFFF086  }
0x25: {  	[simem:s6], [sflag:s4] =	dma.local [hbm:s3], $0xF7A  }
0x26: {  	[smem:$0x3F90] =	sst s1;
	(tag) =	ssettag s2;
	_ =	strace s9  }
0x27: {  	s1 =	sld [smem:$0x3FA0]  }
0x28: {  	s2 =	sld [smem:$0x3FA1]  }
0x29: {  	s4 =	sld [smem:$0x3FA3]  }
0x2a: {  	p0 =	seq.s32 s5, $0x0;
	s5 =	sld [smem:$0x3FA4]  }
0x2b: {  	s6 =	sld [smem:$0x3FA5]  }
0x2c: {  	s7 =	sld [smem:$0x3FA6]  }
0x2d: {  	s3 =	simm.s32 $0x108;
	s8 =	sld [smem:$0x3FA7]  }
0x2e: {  	s3 =	simm.s32 @!p0 $0x1082;
	s9 =	sld [smem:$0x3FA8]  }
0x2f: {  	lr =	sadd.s32 s0, s3;
	s0 =	sld [smem:$0x3F9F]  }
0x30: {  	s3 =	sld [smem:$0x3FA2]  }
0x31: {  	[smem:$0x3FAB] =	sst s10  }
0x32: {  	s10 =	sld [smem:$0x3FA9];
	_ =	sdelay $0x3  }
0x33: {  	p0 =	seq.s32 s10, $0x1;
	s10 =	sld [smem:$0x3FAB];
	_ =	sdelay $0x3  }
0x34: {  	[smem:$0x3FAB] =	sst s10  }
0x35: {  	s10 =	sld [smem:$0x3FAA];
	_ =	sdelay $0x3  }
0x36: {  	p1 =	seq.s32 s10, $0x1;
	s10 =	sld [smem:$0x3FAB];
	_ =	sdelay $0x3  }
0x37: {  	[smem:$0x3FAB] =	sst s10  }
0x38: {  	s10 =	sld [smem:$0x3FAC]  }
0x39: {  	_ = 	snop;
	(pc) =	sbr.ind lr, $3  }
0x3a: {  	_ = 	snop  }
0x3b: {  	_ = 	snop  }
0x3c: {  	p2 =	seq.s32 s10, $0x1;
	s10 =	sld [smem:$0x3FAB]  }
0x3d: {  	_ =	shalt  }
0x3e: {  	_ =	shalt  }
0x3f: {  	_ =	shalt  }
0x40: {  	_ =	shalt  }
0x41: {  	_ =	shalt  }
0x42: {  	_ =	shalt  }
0x43: {  	_ =	shalt  }
0x44: {  	_ =	shalt  }
0x45: {  	_ =	shalt  }
0x46: {  	_ =	shalt  }
0x47: {  	_ =	shalt  }
0x48: {  	_ =	shalt  }
0x49: {  	_ =	shalt  }
0x4a: {  	_ =	shalt  }
0x4b: {  	_ =	shalt  }
0x4c: {  	_ =	shalt  }
0x4d: {  	_ =	shalt  }
0x4e: {  	_ =	shalt  }
0x4f: {  	_ =	shalt  }
0x50: {  	_ =	shalt  }
0x51: {  	_ =	shalt  }
0x52: {  	_ =	shalt  }
0x53: {  	_ =	shalt  }
0x54: {  	_ =	shalt  }
0x55: {  	_ =	shalt  }
0x56: {  	_ =	shalt  }
0x57: {  	_ =	shalt  }
0x58: {  	_ =	shalt  }
0x59: {  	_ =	shalt  }
0x5a: {  	_ =	shalt  }
0x5b: {  	_ =	shalt  }
0x5c: {  	_ =	shalt  }
0x5d: {  	_ =	shalt  }
0x5e: {  	_ =	shalt  }
0x5f: {  	_ =	shalt  }
0x60: {  	_ =	shalt  }
0x61: {  	_ =	shalt  }
0x62: {  	_ =	shalt  }
0x63: {  	_ =	shalt  }
0x64: {  	_ =	shalt  }
0x65: {  	_ =	shalt  }
0x66: {  	_ =	shalt  }
0x67: {  	_ =	shalt  }
0x68: {  	_ =	shalt  }
0x69: {  	_ =	shalt  }
0x6a: {  	_ =	shalt  }
0x6b: {  	_ =	shalt  }
0x6c: {  	_ =	shalt  }
0x6d: {  	_ =	shalt  }
0x6e: {  	_ =	shalt  }
0x6f: {  	_ =	shalt  }
0x70: {  	_ =	shalt  }
0x71: {  	_ =	shalt  }
0x72: {  	_ =	shalt  }
0x73: {  	_ =	shalt  }
0x74: {  	_ =	shalt  }
0x75: {  	_ =	shalt  }
0x76: {  	_ =	shalt  }
0x77: {  	_ =	shalt  }
0x78: {  	_ =	shalt  }
0x79: {  	_ =	shalt  }
0x7a: {  	_ =	shalt  }
0x7b: {  	_ =	shalt  }
0x7c: {  	_ =	shalt  }
0x7d: {  	_ =	shalt  }
0x7e: {  	_ =	shalt  }
0x7f: {  	_ =	shalt  }
0x80: {  	_ =	shalt  }
0x81: {  	_ =	shalt  }
0x82: {  	_ =	shalt  }
0x83: {  	_ =	shalt  }
0x84: {  	_ =	shalt  }
0x85: {  	_ =	shalt  }
0x86: {  	_ =	shalt  }
0x87: {  	_ =	shalt  }
.Lfunc_end0:
.L_simem_size_0:
called_computation_lowered:
.L_overlay_start_0:
0x88: {  	s2 =	sld [smem:$0x3FD9]  }
0x89: {  	s3 =	sld [smem:$0x3FFE];
	_ =	sdelay $0x1  }
0x8a: {  	s1 =	srdreg.scid  }
0x8b: {  	s0 =	sand.u32 $0x1, s1  }
0x8c: {  	s17 =	sshll.u32 s0, $0xA;
	s2 =	sadd.s32 s3, s2  }
0x8d: {  	s2 =	sadd.s32 s2, s17  }
0x8e: {  	[smem:$0x3FB7] =	sst s2  }
0x8f: {  	_ = 	snop  }
0x90: {  	s2 =	sld [smem:$0x3FC9]  }
0x91: {  	s18 =	sld [smem:$0x3FC5];
	(tm) =	ssettm $0x1  }
0x92: {  	s4 =	sld [smem:$0x3FFB];
	_ =	sdelay $0x3  }
0x93: {  	_ =	strace s4  }
0x94: {  	s4 =	sld [smem:$0x3FFC];
	_ =	sdelay $0x3  }
0x95: {  	_ =	strace s4  }
0x96: {  	s4 =	sld [smem:$0x3FFD];
	_ =	sdelay $0x3  }
0x97: {  	_ =	strace s4  }
0x98: {  	_ =	strace $0x8FFFFFFF  }
0x99: {  	s19 =	sld [smem:$0x3FDB];
	_ =	sdelay $0x1  }
0x9a: {  	s5 =	simm.s32 $_scs_section_size  }
0x9b: {  	s6 =	simm.s32 $_size__tile_overlayer_lowered;
	s7 =	simm.s32 $_tile_overlayer_lowered  }
0x9c: {  	s22 =	simm.s32 $0x1BFF;
	s21 =	sshll.u32 s7, $0x1;
	s4 =	sadd.s32 s5, s19  }
0x9d: {  	s8 =	simm.s32 $0x0;
	s20 =	sshll.u32 s6, $0x1;
	s6 =	sadd.s32 s21, s4  }
0x9e: {  	[timem:s8], [sflag:s22] =	dma.local [hbm:s6], s20  }
0x9f: {  	_ =	swait.ge [sflag:s22], s20  }
0xa0: {  	s5 =	ssub.s32 $0x0, s20;
	[sflag:s22] =	ssyncset.done $0x0  }
0xa1: {  	[sflag:s22] =	ssyncadd.s32 s5;
	_ =	sdelay $0x1  }
0xa2: {  	s23 =	simm.s32 $0x1B8B  }
0xa3: {  	_ =	swait.ge [sflag:s23], $0x1  }
0xa4: {  	[sflag:s23] =	ssyncset.done $0x0  }
0xa5: {  	s25 =	simm.s32 $0x1B8E;
	s24 =	sld [smem:$0x3FFE];
	[sflag:s23] =	ssyncadd.s32 $0xFFFFFFFF  }
0xa6: {  	s26 =	simm.s32 $execute0_lowered;
	[smem:$0x3FD2] =	sst s25  }
0xa7: {  	s6 =	sshll.u32 s26, $0x1;
	_ =	strace $0x80000046;
	[dreg:$0x1] =	wrdreg $0xFFFFFFFF  }
0xa8: {  	s28 =	simm.s32 $_size_execute0_lowered;
	s4 =	sadd.s32 s4, s6;
	[dreg:$0x0] =	wrdreg $0x0  }
0xa9: {  	s6 =	sshll.u32 s28, $0x1;
	[dreg:$0x2] =	wrdreg s4  }
0xaa: {  	[dreg:$0x3] =	wrdreg s6  }
0xab: {  	[dreg:$0x4] =	wrdreg $0xC0  }
0xac: {  	_ =	task [dreg:s8], $0x5FFFF  }
0xad: {  	[dreg:$0x1] =	wrdreg $0xFFFFFFFF  }
0xae: {  	[dreg:$0x0] =	wrdreg $0x60  }
0xaf: {  	[dreg:$0x2] =	wrdreg s18  }
0xb0: {  	[dreg:$0x3] =	wrdreg s2  }
0xb1: {  	[dreg:$0x4] =	wrdreg s24  }
0xb2: {  	[dreg:$0x5] =	wrdreg $0x9  }
0xb3: {  	_ =	task.clear_ibuf [dreg:s8], $0x6FFFF;
	_ =	strace $0x90000046  }
0xb4: {  	s29 =	simm.s32 $0x9;
	_ =	strace $0x80000048  }
0xb5: {  	_ =	swait.ge [sflag:s29], $0x1  }
0xb6: {  	[sflag:s29] =	ssyncadd.s32 $0xFFFFFFFF  }
0xb7: {  	_ =	strace $0x90000048  }
0xb8: {  	_ =	sfence  }
0xb9: {  	s30 =	sld [smem:$0x0];
	_ =	sdelay $0x2  }
0xba: {  	s31 =	sshll.u32 s1, $0xD;
	s1 =	sshrl.u32 s1, $0x2  }
0xbb: {  	s3 =	sand.u32 $0x4000, s31;
	s1 =	sadd.s32 s1, s30  }
0xbc: {  	s0 =	sor.u32 s3, s0;
	s1 =	sshll.u32 s1, $0x11  }
0xbd: {  	s0 =	sor.u32 s1, s0  }
0xbe: {  	s0 =	sadd.s32 $0x8F2B, s0  }
0xbf: {  	[sflag:s0] =	ssyncadd.remote.s32 $0x1  }
0xc0: {  	_ =	sfence.sel $0xFFFF  }
0xc1: {  	[dreg:$0x0] =	wrdreg $0xFFFFFFFF;
	(pc) =	sbr.abs _section_cstart, $3  }
0xc2: {  	[dreg:$0x1] =	wrdreg $0xFFFFFFFF  }
0xc3: {  	_ =	task.clear_ibuf [dreg:s8], $0x2FFFF;
	_ =	strace $0x9FFFFFFF  }
0xc4: {  	(tm) =	ssettm $0x7FFFFFFF  }
0xc5: {  	_ =	shalt  }
tec
execute0_lowered:
.L_overlay_start_1:
0x0: {  	(tag) =	ssettag $0x1  }
0x1: {  	s1 =	rddreg [dreg:$0x0];
	s2 =	srdreg.scid  }
0x2: {  	s4 =	rddreg [dreg:$0x1];
	s0 =	stileid.u32  }
0x3: {  	s9 =	rddreg [dreg:$0x2];
	s3 =	simm.s32 $0x0;
	s6 =	sand.u32 $0x1, s2  }
0x4: {  	s5 =	sshll.u32 s0, $0x6;
	s2 =	rddreg [dreg:$0x3];
	s7 =	sshll.u32 s6, $0x5  }
0x5: {  	s8 =	simm.s32 $0x1;
	[smem:$0x7FF] =	sst s3;
	s10 =	sor.u32 s7, s5  }
0x6: {  	_ =	strace $0x80000047;
	s11 =	ssub.s32 $0x2, s6;
	s5 =	sshrl.u32 s10, $0x3  }
0x7: {  	s6 =	simm.s32 $0x20;
	s5 =	sadd.s32 s4, s5;
	s4 =	simm.s32 $0x2  }
0x8: {  	[tilespmem:s3], [sflag:$0x2] =	stream.linear.gather [hbm4b:s5+s3], $0x20, $0x38;
	[tilespmem:$0x1080] =	vst v63  }
0x9: {  	s7 =	simm.s32 $0x80;
	s12 =	sshrl.u32 s11, $0x1;
	_ =	swait.ge [sflag:s4], $0x20  }
0xa: {  	s10 =	sshll.u32 s10, $0x4;
	s31 =	ssub.s32 s11, s12;
	[sflag:s4] =	ssyncset.done $0x0  }
0xb: {  	s9 =	sadd.s32 s10, s9;
	s10 =	smax.u32 s31, $0x1;
	[sflag:s4] =	ssyncadd.s32 $0xFFFFFFE0  }
0xc: {  	[tilespmem:s7], [sflag:$0x1] =	stream.indirect.gather [hbm4b:s1+s6], $0x80, s3, s6, $0xb8;
	[tilespmem:$0x1080] =	vst v63  }
0xd: {  	p0 =	sne.s32 s10, $0x1;
	_ =	swait.ge [sflag:s8], $0x1000  }
.Ltmp0:
0xe: {  	[sflag:s8] =	ssyncset.done $0x0;
	(pc) =	sbr.rel @!p0 .LBB2_2-.Ltmp0, $4  }
0xf: {  	s9 =	sadd.s32 $0x2000, s9;
	[sflag:s8] =	ssyncadd.s32 $0xFFFFF000  }
0x10: {  	[hbm4b:s9+s3] =	stream.linear.scatter [tilespmem:s7], [sflag:$0x2], $0x1000, $0x38;
	[tilespmem:$0x1080] =	vst v63  }
0x11: {  	_ =	swait.ge [sflag:s4], $0x1000  }
0x12: {  	s10 =	sadd.s32 $0xFFFFFFFF, s10;
	[sflag:s4] =	ssyncset.done $0x0  }
.LBB2_1:
0x13: {  	p0 =	sne.s32 s10, $0x1;
	s10 =	sadd.s32 $0xFFFFFFFF, s10;
	[sflag:s4] =	ssyncadd.s32 $0xFFFFF000  }
0x14: {  	[tilespmem:s3], [sflag:$0x2] =	stream.linear.gather [hbm4b:s5+s3], $0x20, $0x38;
	[tilespmem:$0x1080] =	vst v63  }
0x15: {  	_ =	swait.ge [sflag:s4], $0x20  }
0x16: {  	[sflag:s4] =	ssyncset.done $0x0  }
0x17: {  	[sflag:s4] =	ssyncadd.s32 $0xFFFFFFE0  }
0x18: {  	[tilespmem:s7], [sflag:$0x1] =	stream.indirect.gather [hbm4b:s1+s6], $0x80, s3, s6, $0xb8;
	[tilespmem:$0x1080] =	vst v63  }
0x19: {  	_ =	swait.ge [sflag:s8], $0x1000  }
.Ltmp1:
0x1a: {  	[sflag:s8] =	ssyncset.done $0x0;
	(pc) =	sbr.rel @p0 .LBB2_1-.Ltmp1, $4  }
0x1b: {  	[sflag:s8] =	ssyncadd.s32 $0xFFFFF000  }
0x1c: {  	[hbm4b:s9+s3] =	stream.linear.scatter [tilespmem:s7], [sflag:$0x2], $0x1000, $0x38;
	[tilespmem:$0x1080] =	vst v63  }
0x1d: {  	_ =	swait.ge [sflag:s4], $0x1000  }
0x1e: {  	[sflag:s4] =	ssyncset.done $0x0  }
.LBB2_2:
0x1f: {  	[sflag:s4] =	ssyncadd.s32 $0xFFFFF000  }
0x20: {  	_ =	sfence.sel $0x180000  }
0x21: {  	[bflag:$0x0] =	sbarrier.arrive $0xFFFF  }
0x22: {  	p0 =	sne.s32 s0, $0x0;
	_ =	strace $0x90000047  }
0x23: {  	s0 =	sadd.s32 @!p0 $0x100000, s2;
	[bflag:$0x2] =	sbarrier.arrive $0xFFFF  }
0x24: {  	[sflag:s0] =	ssyncadd.tile.s32 @!p0 $0x1;
	_ =	shalt  }
.Lfunc_end2:
_tile_overlayer_lowered:
.L_overlay_start_2:
0x25: {  	(tag) =	ssettag $0x2  }
0x26: {  	s0 =	rddreg [dreg:$0x0];
	s2 =	stileid.u32  }
0x27: {  	s1 =	rddreg [dreg:$0x1];
	p0 =	sne.s32 s2, $0x0  }
0x28: {  	s3 =	rddreg [dreg:$0x2];
	[bflag:$0x3] =	sbarrier.arrive $0xFFFF;
	s2 =	simm.s32 @!p0 $0x1C02  }
0x29: {  	[timem:s3], [sflag:s2] =	dma.local @!p0 [hbm:s0], s1  }
0x2a: {  	s0 =	simm.s32 @!p0 $0x2  }
0x2b: {  	_ =	swait.ge @!p0 [sflag:s0], s1  }
0x2c: {  	s1 =	ssub.s32 @!p0 $0x0, s1;
	[sflag:s0] =	ssyncset.done @!p0 $0x0  }
0x2d: {  	[sflag:s0] =	ssyncadd.s32 @!p0 s1  }
0x2e: {  	[bflag:$0x3] =	sbarrier.arrive $0xFFFF  }
0x2f: {  	_ =	shalt  }

</sc_bundles>
